<compile_context>
chip_gen: v7x
topology: tpu7x:2x2x1
jax: 0.10.2.dev20260603
libtpu: 0.0.44.dev20260713+nightly
codegen_flags: <defaults>
</compile_context>

<pallas_src>
import functools

import jax
import jax.numpy as jnp
from jax import lax
from jax.experimental import pallas as pl
from jax.experimental.pallas import tpu as pltpu
from jax.experimental.pallas import tpu_sc as plsc

N_NODES = 10000
N_EDGES = 320000
D_FEAT = 128

NC, NS, L = 2, 16, 16
NW = NC * NS
E_PER_W = N_EDGES // NW
STEPS = E_PER_W // L
N_VECS = N_NODES // L
E_BUF = 10240


@functools.cache
def _scatter_w_kernel():
    mesh = plsc.VectorSubcoreMesh(core_axis_name="c", subcore_axis_name="s")

    @functools.partial(
        pl.kernel,
        mesh=mesh,
        compiler_params=pltpu.CompilerParams(needs_layout_passes=False),
        out_type=jax.ShapeDtypeStruct((NW, N_NODES), jnp.float32),
        scratch_types=[
            pltpu.VMEM((N_NODES,), jnp.float32),
            pltpu.VMEM((2, E_BUF), jnp.int32),
            pltpu.VMEM((E_PER_W,), jnp.float32),
            pltpu.SemaphoreType.DMA,
            pltpu.SemaphoreType.DMA,
        ],
    )
    def _scatter_w(edge_hbm, attr_hbm, out_hbm, acc_v, src_v, attr_v, sem_e, sem_a):
        wid = lax.axis_index("s") * NC + lax.axis_index("c")
        base = wid * E_PER_W
        base_al = pl.multiple_of(
            jnp.minimum((base // 128) * 128, N_EDGES - E_BUF), 128)
        off = base - base_al
        cp_e = pltpu.async_copy(edge_hbm.at[:, pl.ds(base_al, E_BUF)], src_v, sem_e)
        cp_a = pltpu.async_copy(attr_hbm.at[pl.ds(base, E_PER_W)], attr_v, sem_a)

        zeros = jnp.zeros((L,), jnp.float32)

        @plsc.parallel_loop(0, N_VECS, unroll=25)
        def _zero(i):
            acc_v[pl.ds(i * L, L)] = zeros

        cp_e.wait()
        cp_a.wait()

        @plsc.parallel_loop(0, STEPS, unroll=25)
        def _scat(i):
            e = i * L
            idx = src_v[0, pl.ds(off + e, L)]
            a = attr_v[pl.ds(e, L)]
            plsc.addupdate_scatter(acc_v, [idx], a)

        pltpu.sync_copy(acc_v, out_hbm.at[wid])

    return _scatter_w


def _matvec_t_body(w_ref, x_ref, y_ref):
    y_ref[...] = jax.lax.dot_general(
        w_ref[...], x_ref[...], (((1,), (1,)), ((), ())),
        precision=jax.lax.Precision.HIGHEST,
        preferred_element_type=jnp.float32)


def _combine_body(p_ref, y_ref, b_ref, o_ref):
    w_nodes = jnp.sum(p_ref[...], axis=0, keepdims=True)
    o_ref[...] = (
        jnp.sum(w_nodes * y_ref[...]) * (1.0 / N_NODES) + b_ref[...]
    )


def kernel(x, edge_index, edge_attr, W, b):
    partials = _scatter_w_kernel()(edge_index.astype(jnp.int32), edge_attr)
    y_t = pl.pallas_call(
        _matvec_t_body,
        out_shape=jax.ShapeDtypeStruct((1, N_NODES), jnp.float32),
    )(W, x)
    out = pl.pallas_call(
        _combine_body,
        out_shape=jax.ShapeDtypeStruct((1, 1), jnp.float32),
    )(partials, y_t, b.reshape(1, 1))
    return out

# --- scband reference (transcript-rebuilt; emitter-appended) ---
"""Pipeline reference for scband-gcnnet-5978594476679 (READ-ONLY COPY).

The authoritative reference and input builder live on the scoring server;
editing this copy changes nothing except your own understanding.
"""

import jax, jax.numpy as jnp
import numpy as np

N_NODES = 10000
N_EDGES = 320000
D_FEAT = 128

def setup_inputs(seed: int = 0) -> dict:
    key = jax.random.key(seed)
    k1, k2, k3, k4, k5 = jax.random.split(key, 5)
    x = jax.random.normal(k1, (N_NODES, D_FEAT), dtype=jnp.float32)
    edge_index = jax.random.randint(k2, (2, N_EDGES), 0, N_NODES, dtype=jnp.int64)
    edge_attr = jax.random.uniform(k3, (N_EDGES,), dtype=jnp.float32)
    # Linear(hidden_channels=128, 1) parameters
    lim = 1.0 / np.sqrt(D_FEAT)
    W = jax.random.uniform(k4, (1, D_FEAT), dtype=jnp.float32, minval=-lim, maxval=lim)
    b = jax.random.uniform(k5, (1,), dtype=jnp.float32, minval=-lim, maxval=lim)
    return {"x": x, "edge_index": edge_index, "edge_attr": edge_attr, "W": W, "b": b}

def reference(x, edge_index, edge_attr, W, b):
    # SimpleConv: sum aggregation of x_j * edge_weight over incoming edges
    src = edge_index[0]
    dst = edge_index[1]
    msgs = jnp.take(x, src, axis=0) * edge_attr[:, None]  # gather + scale
    h = jax.ops.segment_sum(msgs, dst, num_segments=N_NODES)  # scatter-add
    # global_mean_pool with batch = zeros -> single-graph mean over all nodes
    pooled = jnp.mean(h, axis=0, keepdims=True)  # [1, D_FEAT]
    out = pooled @ W.T + b  # [1, 1]
    return out

if __name__ == "__main__":
    import jax
    _d = setup_inputs()
    print(jax.jit(kernel)(*tuple(_d.values())))

</pallas_src>

<mosaic_0001>
#map = affine_map<(d0, d1) -> (0, 0)>
#map1 = affine_map<(d0, d1) -> (0)>
module attributes {stable_mosaic.version = 14 : i64} {
  func.func @_scatter_w(%arg0: i32, %arg1: i32, %arg2: memref<2x320000xi32, #tpu.memory_space<hbm>>, %arg3: memref<320000xf32, #tpu.memory_space<hbm>>, %arg4: memref<32x10000xf32, #tpu.memory_space<hbm>>, %arg5: memref<10000xf32, #tpu.memory_space<vmem>>, %arg6: memref<2x10240xi32, #tpu.memory_space<vmem>>, %arg7: memref<10000xf32, #tpu.memory_space<vmem>>, %arg8: memref<!tpu.dma_semaphore, #tpu.memory_space<semaphore_mem>>, %arg9: memref<!tpu.dma_semaphore, #tpu.memory_space<semaphore_mem>>) attributes {dimension_semantics = [#tpu.dimension_semantics<core_parallel>, #tpu.dimension_semantics<subcore_parallel>], iteration_bounds = array<i64: 2, 16>, scalar_prefetch = 0 : i64, scratch_operands = 5 : i64, tpu.core_type = #tpu.core_type<sc_vector_subcore>, window_params = [{transform_indices = #map}, {transform_indices = #map1}, {transform_indices = #map}]} {
    %mul3A = arith.constant 2 : i32
    %mul3A_0 = arith.muli %arg1, %mul3A : i32
    %add3A = arith.addi %mul3A_0, %arg0 : i32
    %mul3A_1 = arith.constant 10000 : i32
    %mul3A_2 = arith.muli %add3A, %mul3A_1 : i32
    %jit3A = arith.constant 128 : i32
    %div3A = arith.divsi %mul3A_2, %jit3A : i32
    %sign3A = arith.constant 0 : i32
    %sign3A_3 = arith.cmpi sgt, %mul3A_2, %sign3A : i32
    %sign3A_4 = arith.extui %sign3A_3 : i1 to i32
    %sign3A_5 = arith.constant 0 : i32
    %sign3A_6 = arith.cmpi slt, %mul3A_2, %sign3A_5 : i32
    %sign3A_7 = arith.extui %sign3A_6 : i1 to i32
    %sign3A_8 = arith.subi %sign3A_4, %sign3A_7 : i32
    %sign3A_9 = arith.constant 0 : i32
    %sign3A_10 = arith.cmpi sgt, %jit3A, %sign3A_9 : i32
    %sign3A_11 = arith.extui %sign3A_10 : i1 to i32
    %sign3A_12 = arith.constant 0 : i32
    %sign3A_13 = arith.cmpi slt, %jit3A, %sign3A_12 : i32
    %sign3A_14 = arith.extui %sign3A_13 : i1 to i32
    %sign3A_15 = arith.subi %sign3A_11, %sign3A_14 : i32
    %ne3A = arith.cmpi ne, %sign3A_8, %sign3A_15 : i32
    %rem3A = arith.remsi %mul3A_2, %jit3A : i32
    %ne3A_16 = arith.constant 0 : i32
    %ne3A_17 = arith.cmpi ne, %rem3A, %ne3A_16 : i32
    %and3A = arith.andi %ne3A, %ne3A_17 : i1
    %sub3A = arith.constant 1 : i32
    %sub3A_18 = arith.subi %div3A, %sub3A : i32
    %select_n3A = arith.select %and3A, %sub3A_18, %div3A : i32
    %mul3A_19 = arith.constant 128 : i32
    %mul3A_20 = arith.muli %select_n3A, %mul3A_19 : i32
    %min3A = arith.constant 309760 : i32
    %min3A_21 = arith.minsi %mul3A_20, %min3A : i32
    %multiple_of3A = tpu.assume_multiple %min3A_21, 128 : i32
    %sub3A_22 = arith.subi %mul3A_2, %multiple_of3A : i32
    %dma_start3A = arith.constant 0 : i32
    %dma_start3A_23 = tpu.memref_slice %arg2[%dma_start3A, %multiple_of3A] : memref<2x320000xi32, #tpu.memory_space<hbm>> -> memref<2x10240xi32, #tpu.memory_space<hbm>>
    %dma_start3A_24 = arith.constant 0 : i32
    %dma_start3A_25 = tpu.memref_slice %arg2[%dma_start3A_24, %multiple_of3A] : memref<2x320000xi32, #tpu.memory_space<hbm>> -> memref<2x10240xi32, #tpu.memory_space<hbm>>
    tpu.enqueue_dma source(%dma_start3A_25 : memref<2x10240xi32, #tpu.memory_space<hbm>>) target(%arg6 : memref<2x10240xi32, #tpu.memory_space<vmem>>) target_semaphore(%arg8 : memref<!tpu.dma_semaphore, #tpu.memory_space<semaphore_mem>>)
    %dma_start3A_26 = tpu.memref_slice %arg3[%mul3A_2] : memref<320000xf32, #tpu.memory_space<hbm>> -> memref<10000xf32, #tpu.memory_space<hbm>>
    %dma_start3A_27 = tpu.memref_slice %arg3[%mul3A_2] : memref<320000xf32, #tpu.memory_space<hbm>> -> memref<10000xf32, #tpu.memory_space<hbm>>
    tpu.enqueue_dma source(%dma_start3A_27 : memref<10000xf32, #tpu.memory_space<hbm>>) target(%arg7 : memref<10000xf32, #tpu.memory_space<vmem>>) target_semaphore(%arg9 : memref<!tpu.dma_semaphore, #tpu.memory_space<semaphore_mem>>)
    %broadcast_in_dim3A = arith.constant 0.000000e+00 : f32
    %broadcast_in_dim3A_28 = vector.broadcast %broadcast_in_dim3A : f32 to vector<16xf32>
    %parallel_loop3A = arith.constant 0 : i32
    %parallel_loop3A_29 = arith.constant 625 : i32
    %parallel_loop3A_30 = arith.constant 1 : i32
    scf.for %parallel_loop3A_39 = %parallel_loop3A to %parallel_loop3A_29 step %parallel_loop3A_30  : i32 {
      %parallel_loop3A_40 = arith.constant 16 : i32
      %parallel_loop3A_41 = arith.muli %parallel_loop3A_39, %parallel_loop3A_40 : i32
      %parallel_loop3A_42 = arith.index_cast %parallel_loop3A_41 : i32 to index
      %parallel_loop3A_43 = tpu.vector_load %arg5[%parallel_loop3A_42] {strides = array<i32>} : memref<10000xf32, #tpu.memory_space<vmem>>, vector<16xf32>,
      tpu.vector_store %arg5[%parallel_loop3A_42], %broadcast_in_dim3A_28 {strides = array<i32>} : memref<10000xf32, #tpu.memory_space<vmem>>, vector<16xf32>,
    } {sc.loop_unroll_factor = 25 : i64, sc.parallel_access}
    %dma_wait3A = arith.constant 0 : i32
    %dma_wait3A_31 = tpu.memref_slice %arg2[%dma_wait3A, %multiple_of3A] : memref<2x320000xi32, #tpu.memory_space<hbm>> -> memref<2x10240xi32, #tpu.memory_space<hbm>>
    %dma_wait3A_32 = arith.constant 0 : i32
    %dma_wait3A_33 = tpu.memref_slice %arg2[%dma_wait3A_32, %multiple_of3A] : memref<2x320000xi32, #tpu.memory_space<hbm>> -> memref<2x10240xi32, #tpu.memory_space<hbm>>
    tpu.wait_dma2 semaphore(%arg8 : memref<!tpu.dma_semaphore, #tpu.memory_space<semaphore_mem>>) src(%dma_wait3A_33 : memref<2x10240xi32, #tpu.memory_space<hbm>>) dst(%arg6 : memref<2x10240xi32, #tpu.memory_space<vmem>>)
    %dma_wait3A_34 = tpu.memref_slice %arg3[%mul3A_2] : memref<320000xf32, #tpu.memory_space<hbm>> -> memref<10000xf32, #tpu.memory_space<hbm>>
    %dma_wait3A_35 = tpu.memref_slice %arg3[%mul3A_2] : memref<320000xf32, #tpu.memory_space<hbm>> -> memref<10000xf32, #tpu.memory_space<hbm>>
    tpu.wait_dma2 semaphore(%arg9 : memref<!tpu.dma_semaphore, #tpu.memory_space<semaphore_mem>>) src(%dma_wait3A_35 : memref<10000xf32, #tpu.memory_space<hbm>>) dst(%arg7 : memref<10000xf32, #tpu.memory_space<vmem>>)
    %parallel_loop3A_36 = arith.constant 0 : i32
    %parallel_loop3A_37 = arith.constant 625 : i32
    %parallel_loop3A_38 = arith.constant 1 : i32
    scf.for %parallel_loop3A_39 = %parallel_loop3A_36 to %parallel_loop3A_37 step %parallel_loop3A_38  : i32 {
      %parallel_loop3A_40 = arith.constant 16 : i32
      %parallel_loop3A_41 = arith.muli %parallel_loop3A_39, %parallel_loop3A_40 : i32
      %parallel_loop3A_42 = arith.addi %sub3A_22, %parallel_loop3A_41 : i32
      %parallel_loop3A_43 = arith.constant 0 : i32
      %parallel_loop3A_44 = arith.index_cast %parallel_loop3A_43 : i32 to index
      %parallel_loop3A_45 = arith.index_cast %parallel_loop3A_42 : i32 to index
      %parallel_loop3A_46 = tpu.vector_load %arg6[%parallel_loop3A_44, %parallel_loop3A_45] {strides = array<i32>} : memref<2x10240xi32, #tpu.memory_space<vmem>>, vector<16xi32>,
      %parallel_loop3A_47 = arith.index_cast %parallel_loop3A_41 : i32 to index
      %parallel_loop3A_48 = tpu.vector_load %arg7[%parallel_loop3A_47] {strides = array<i32>} : memref<10000xf32, #tpu.memory_space<vmem>>, vector<16xf32>,
      tpu.vector_store_idx %arg5[%parallel_loop3A_46], %parallel_loop3A_48 {add = true} : memref<10000xf32, #tpu.memory_space<vmem>>[vector<16xi32>], vector<16xf32>,
    } {sc.loop_unroll_factor = 25 : i64, sc.parallel_access}
    "tpu.region"() ({
      %run_scoped3A = tpu.sem_alloc : memref<!tpu.dma_semaphore, #tpu.memory_space<semaphore_mem>>
      %dma_start3A_39 = arith.constant 0 : i32
      %dma_start3A_40 = tpu.memref_slice %arg4[%add3A, %dma_start3A_39] : memref<32x10000xf32, #tpu.memory_space<hbm>> -> memref<1x10000xf32, #tpu.memory_space<hbm>>
      %dma_start3A_41 = tpu.memref_squeeze %dma_start3A_40 : memref<1x10000xf32, #tpu.memory_space<hbm>> -> memref<10000xf32, #tpu.memory_space<hbm>>
      %dma_start3A_42 = arith.constant 0 : i32
      %dma_start3A_43 = tpu.memref_slice %arg4[%add3A, %dma_start3A_42] : memref<32x10000xf32, #tpu.memory_space<hbm>> -> memref<1x10000xf32, #tpu.memory_space<hbm>>
      %dma_start3A_44 = tpu.memref_squeeze %dma_start3A_43 : memref<1x10000xf32, #tpu.memory_space<hbm>> -> memref<10000xf32, #tpu.memory_space<hbm>>
      tpu.enqueue_dma source(%arg5 : memref<10000xf32, #tpu.memory_space<vmem>>) target(%dma_start3A_44 : memref<10000xf32, #tpu.memory_space<hbm>>) target_semaphore(%run_scoped3A : memref<!tpu.dma_semaphore, #tpu.memory_space<semaphore_mem>>)
      %dma_wait3A_45 = arith.constant 0 : i32
      %dma_wait3A_46 = tpu.memref_slice %arg4[%add3A, %dma_wait3A_45] : memref<32x10000xf32, #tpu.memory_space<hbm>> -> memref<1x10000xf32, #tpu.memory_space<hbm>>
      %dma_wait3A_47 = tpu.memref_squeeze %dma_wait3A_46 : memref<1x10000xf32, #tpu.memory_space<hbm>> -> memref<10000xf32, #tpu.memory_space<hbm>>
      %dma_wait3A_48 = arith.constant 0 : i32
      %dma_wait3A_49 = tpu.memref_slice %arg4[%add3A, %dma_wait3A_48] : memref<32x10000xf32, #tpu.memory_space<hbm>> -> memref<1x10000xf32, #tpu.memory_space<hbm>>
      %dma_wait3A_50 = tpu.memref_squeeze %dma_wait3A_49 : memref<1x10000xf32, #tpu.memory_space<hbm>> -> memref<10000xf32, #tpu.memory_space<hbm>>
      tpu.wait_dma2 semaphore(%run_scoped3A : memref<!tpu.dma_semaphore, #tpu.memory_space<semaphore_mem>>) src(%arg5 : memref<10000xf32, #tpu.memory_space<vmem>>) dst(%dma_wait3A_50 : memref<10000xf32, #tpu.memory_space<hbm>>)
      tpu.yield
    }) : () -> ()
    return
  }
}

module attributes {stable_mosaic.version = 14 : i64} {
  func.func @_matvec_t_body(%arg0: memref<1x128xf32, #tpu.memory_space<vmem>>, %arg1: memref<10000x128xf32, #tpu.memory_space<vmem>>, %arg2: memref<1x10000xf32, #tpu.memory_space<vmem>>) attributes {dimension_semantics = [], scalar_prefetch = 0 : i64, scratch_operands = 0 : i64, tpu.core_type = #tpu.core_type<tc>} {
    %get3A = arith.constant 0 : index
    %get3A_0 = arith.constant 0 : index
    %get3A_1 = vector.load %arg0[%get3A, %get3A_0] : memref<1x128xf32, #tpu.memory_space<vmem>>, vector<1x128xf32>
    %get3A_2 = arith.constant 0 : index
    %get3A_3 = arith.constant 0 : index
    %get3A_4 = vector.load %arg1[%get3A_2, %get3A_3] : memref<10000x128xf32, #tpu.memory_space<vmem>>, vector<10000x128xf32>
    %dot_general3A = arith.constant dense<0.000000e+00> : vector<1x10000xf32>
    %dot_general3A_5 = tpu.matmul %get3A_1, %get3A_4, %dot_general3A {dimension_numbers = #tpu.dot_dimension_numbers<[1], [1], [0], [0], [0, 0, 1, 0], [], []>, precision = #tpu.contract_precision<fp32>, transpose_lhs_hint = false} : vector<1x128xf32>, vector<10000x128xf32>, vector<1x10000xf32> -> vector<1x10000xf32>
    %swap3A = arith.constant 0 : index
    %swap3A_6 = arith.constant 0 : index
    %swap3A_7 = vector.load %arg2[%swap3A, %swap3A_6] : memref<1x10000xf32, #tpu.memory_space<vmem>>, vector<1x10000xf32>
    tpu.vector_store %arg2[%swap3A, %swap3A_6], %dot_general3A_5 {strides = array<i32>} : memref<1x10000xf32, #tpu.memory_space<vmem>>, vector<1x10000xf32>,
    return
  }
}

module attributes {stable_mosaic.version = 14 : i64} {
  func.func @_combine_body(%arg0: memref<32x10000xf32, #tpu.memory_space<vmem>>, %arg1: memref<1x10000xf32, #tpu.memory_space<vmem>>, %arg2: memref<1x1xf32, #tpu.memory_space<vmem>>, %arg3: memref<1x1xf32, #tpu.memory_space<vmem>>) attributes {dimension_semantics = [], scalar_prefetch = 0 : i64, scratch_operands = 0 : i64, tpu.core_type = #tpu.core_type<tc>} {
    %get3A = arith.constant 0 : index
    %get3A_0 = arith.constant 0 : index
    %get3A_1 = vector.load %arg0[%get3A, %get3A_0] : memref<32x10000xf32, #tpu.memory_space<vmem>>, vector<32x10000xf32>
    %reduce_sum3A = arith.constant dense<0.000000e+00> : vector<10000xf32>
    %reduce_sum3A_2 = vector.multi_reduction <add>, %get3A_1, %reduce_sum3A [0] : vector<32x10000xf32> to vector<10000xf32>
    %broadcast_in_dim3A = vector.shape_cast %reduce_sum3A_2 : vector<10000xf32> to vector<1x10000xf32>
    %get3A_3 = arith.constant 0 : index
    %get3A_4 = arith.constant 0 : index
    %get3A_5 = vector.load %arg1[%get3A_3, %get3A_4] : memref<1x10000xf32, #tpu.memory_space<vmem>>, vector<1x10000xf32>
    %mul3A = arith.mulf %broadcast_in_dim3A, %get3A_5 : vector<1x10000xf32>
    %reduce_sum3A_6 = vector.shape_cast %mul3A : vector<1x10000xf32> to vector<1x1x10000xf32>
    %reduce_sum3A_7 = arith.constant dense<0.000000e+00> : vector<1xf32>
    %reduce_sum3A_8 = vector.multi_reduction <add>, %reduce_sum3A_6, %reduce_sum3A_7 [1, 2] : vector<1x1x10000xf32> to vector<1xf32>
    %reduce_sum3A_9 = vector.shape_cast %reduce_sum3A_8 : vector<1xf32> to vector<1x1x1xf32>
    %reduce_sum3A_10 = vector.extract %reduce_sum3A_9[0, 0, 0] : f32 from vector<1x1x1xf32>
    %mul3A_11 = arith.constant 9.99999974E-5 : f32
    %mul3A_12 = arith.mulf %reduce_sum3A_10, %mul3A_11 : f32
    %get3A_13 = arith.constant 0 : index
    %get3A_14 = arith.constant 0 : index
    %get3A_15 = vector.load %arg2[%get3A_13, %get3A_14] : memref<1x1xf32, #tpu.memory_space<vmem>>, vector<1x1xf32>
    %add3A = vector.broadcast %mul3A_12 : f32 to vector<1x1xf32>
    %add3A_16 = arith.addf %add3A, %get3A_15 : vector<1x1xf32>
    %swap3A = arith.constant 0 : index
    %swap3A_17 = arith.constant 0 : index
    %swap3A_18 = vector.load %arg3[%swap3A, %swap3A_17] : memref<1x1xf32, #tpu.memory_space<vmem>>, vector<1x1xf32>
    tpu.vector_store %arg3[%swap3A, %swap3A_17], %add3A_16 {strides = array<i32>} : memref<1x1xf32, #tpu.memory_space<vmem>>, vector<1x1xf32>,
    return
  }
}

</mosaic_0001>

<sc_bundles>
// kernel: kernel.5.cloned.1.call-start
scs
__scs_entry_jumppad:
0x0: {  	(pc) =	sbr.rel $0x88, $3  }
0x1: {  	(tag) =	ssettag $0x0;
	lr =	simm.s32 $0x1  }
0x2: {  	[smem:$0x3F9C] =	sst lr;
	_ =	strace $0xD0000000  }
0x3: {  	_ = 	snop  }
0x4: {  	_ = 	snop  }
0x5: {  	_ = 	snop  }
0x6: {  	_ = 	snop  }
0x7: {  	_ = 	snop  }
__scs_overlays_trampoline_lowered:
0x8: {  	[smem:$0x3FAB] =	sst s0  }
0x9: {  	[smem:$0x3FAC] =	sst s1  }
0xa: {  	[smem:$0x3FAD] =	sst s2  }
0xb: {  	[smem:$0x3FAE] =	sst s3  }
0xc: {  	[smem:$0x3FAF] =	sst s4  }
0xd: {  	[smem:$0x3FB0] =	sst s5  }
0xe: {  	[smem:$0x3FB1] =	sst s6  }
0xf: {  	[smem:$0x3FB2] =	sst s7  }
0x10: {  	[smem:$0x3FB3] =	sst s8  }
0x11: {  	[smem:$0x3FB4] =	sst s9;
	s0 =	simm.s32 @!p0 $0x0  }
0x12: {  	s1 =	sld [smem:$0x3F9A];
	s0 =	simm.s32 @p0 $0x1  }
0x13: {  	[smem:$0x3FB5] =	sst s0;
	s0 =	simm.s32 @!p1 $0x0  }
0x14: {  	s2 =	sld [smem:$0x3F99];
	s0 =	simm.s32 @p1 $0x1  }
0x15: {  	[smem:$0x3FB6] =	sst s0;
	s0 =	simm.s32 @!p2 $0x0  }
0x16: {  	s3 =	sld [smem:$0x3FDB];
	s0 =	simm.s32 @p2 $0x1  }
0x17: {  	s4 =	simm.s32 $0x1BF5;
	[smem:$0x3FB8] =	sst s0  }
0x18: {  	s0 =	sld [smem:$0x3F9B];
	_ =	swait.ge [sflag:s4], $0x0  }
0x19: {  	s7 =	sld [smem:$0x3F9C]  }
0x1a: {  	s8 =	sadd.s32 $0xFFFFE003, lr  }
0x1b: {  	s9 =	sadd.s32 $0xFFFFFEF7, lr;
	s5 =	simm.s32 $0xFFFFFFFF;
	p2 =	slt.u32 s8, $0xFFFFF086  }
0x1c: {  	p1 =	slt.u32 s9, $0xF7A;
	s5 =	simm.s32 @!p2 $0x0  }
0x1d: {  	s5 =	simm.s32 @p1 $0x1;
	p0 =	seq.s32 s7, s2  }
0x1e: {  	s7 =	smul.u32 @!p0 $0xF7A, s2;
	p2 =	seq.s32 @!p0 s5, $0x0  }
0x1f: {  	s9 =	smul.u32 $0xF7A, s1;
	s8 =	simm.s32 @!p0 $0x1BF5;
	p2 =	por !p2, p0  }
0x20: {  	[sflag:s8] =	ssyncset.s32 @!p0 $0xFFFFF086;
	s6 =	sadd.s32 @!p0 s3, s7;
	s7 =	simm.s32 @!p0 $0x108  }
0x21: {  	s3 =	sadd.s32 s3, s9;
	s6 =	sadd.s32 @!p0 $0x88, s6;
	s7 =	simm.s32 @p2 $0x1082  }
0x22: {  	[simem:s7], [sflag:s8] =	dma.local @!p0 [hbm:s6], $0xF7A  }
0x23: {  	s9 =	sor.u32 $0xD0000000, s2;
	s6 =	simm.s32 $0x108;
	_ =	swait.ge @!p0 [sflag:s8], $0x0  }
0x24: {  	s3 =	sadd.s32 $0x88, s3;
	s6 =	simm.s32 @!p1 $0x1082;
	[sflag:s4] =	ssyncset.s32 $0xFFFFF086  }
0x25: {  	[simem:s6], [sflag:s4] =	dma.local [hbm:s3], $0xF7A  }
0x26: {  	[smem:$0x3F9C] =	sst s1;
	(tag) =	ssettag s2;
	_ =	strace s9  }
0x27: {  	s1 =	sld [smem:$0x3FAC]  }
0x28: {  	s2 =	sld [smem:$0x3FAD]  }
0x29: {  	s4 =	sld [smem:$0x3FAF]  }
0x2a: {  	p0 =	seq.s32 s5, $0x0;
	s5 =	sld [smem:$0x3FB0]  }
0x2b: {  	s6 =	sld [smem:$0x3FB1]  }
0x2c: {  	s7 =	sld [smem:$0x3FB2]  }
0x2d: {  	s3 =	simm.s32 $0x108;
	s8 =	sld [smem:$0x3FB3]  }
0x2e: {  	s3 =	simm.s32 @!p0 $0x1082;
	s9 =	sld [smem:$0x3FB4]  }
0x2f: {  	lr =	sadd.s32 s0, s3;
	s0 =	sld [smem:$0x3FAB]  }
0x30: {  	s3 =	sld [smem:$0x3FAE]  }
0x31: {  	[smem:$0x3FB7] =	sst s10  }
0x32: {  	s10 =	sld [smem:$0x3FB5];
	_ =	sdelay $0x3  }
0x33: {  	p0 =	seq.s32 s10, $0x1;
	s10 =	sld [smem:$0x3FB7];
	_ =	sdelay $0x3  }
0x34: {  	[smem:$0x3FB7] =	sst s10  }
0x35: {  	s10 =	sld [smem:$0x3FB6];
	_ =	sdelay $0x3  }
0x36: {  	p1 =	seq.s32 s10, $0x1;
	s10 =	sld [smem:$0x3FB7];
	_ =	sdelay $0x3  }
0x37: {  	[smem:$0x3FB7] =	sst s10  }
0x38: {  	s10 =	sld [smem:$0x3FB8]  }
0x39: {  	_ = 	snop;
	(pc) =	sbr.ind lr, $3  }
0x3a: {  	_ = 	snop  }
0x3b: {  	_ = 	snop  }
0x3c: {  	p2 =	seq.s32 s10, $0x1;
	s10 =	sld [smem:$0x3FB7]  }
0x3d: {  	_ =	shalt  }
0x3e: {  	_ =	shalt  }
0x3f: {  	_ =	shalt  }
0x40: {  	_ =	shalt  }
0x41: {  	_ =	shalt  }
0x42: {  	_ =	shalt  }
0x43: {  	_ =	shalt  }
0x44: {  	_ =	shalt  }
0x45: {  	_ =	shalt  }
0x46: {  	_ =	shalt  }
0x47: {  	_ =	shalt  }
0x48: {  	_ =	shalt  }
0x49: {  	_ =	shalt  }
0x4a: {  	_ =	shalt  }
0x4b: {  	_ =	shalt  }
0x4c: {  	_ =	shalt  }
0x4d: {  	_ =	shalt  }
0x4e: {  	_ =	shalt  }
0x4f: {  	_ =	shalt  }
0x50: {  	_ =	shalt  }
0x51: {  	_ =	shalt  }
0x52: {  	_ =	shalt  }
0x53: {  	_ =	shalt  }
0x54: {  	_ =	shalt  }
0x55: {  	_ =	shalt  }
0x56: {  	_ =	shalt  }
0x57: {  	_ =	shalt  }
0x58: {  	_ =	shalt  }
0x59: {  	_ =	shalt  }
0x5a: {  	_ =	shalt  }
0x5b: {  	_ =	shalt  }
0x5c: {  	_ =	shalt  }
0x5d: {  	_ =	shalt  }
0x5e: {  	_ =	shalt  }
0x5f: {  	_ =	shalt  }
0x60: {  	_ =	shalt  }
0x61: {  	_ =	shalt  }
0x62: {  	_ =	shalt  }
0x63: {  	_ =	shalt  }
0x64: {  	_ =	shalt  }
0x65: {  	_ =	shalt  }
0x66: {  	_ =	shalt  }
0x67: {  	_ =	shalt  }
0x68: {  	_ =	shalt  }
0x69: {  	_ =	shalt  }
0x6a: {  	_ =	shalt  }
0x6b: {  	_ =	shalt  }
0x6c: {  	_ =	shalt  }
0x6d: {  	_ =	shalt  }
0x6e: {  	_ =	shalt  }
0x6f: {  	_ =	shalt  }
0x70: {  	_ =	shalt  }
0x71: {  	_ =	shalt  }
0x72: {  	_ =	shalt  }
0x73: {  	_ =	shalt  }
0x74: {  	_ =	shalt  }
0x75: {  	_ =	shalt  }
0x76: {  	_ =	shalt  }
0x77: {  	_ =	shalt  }
0x78: {  	_ =	shalt  }
0x79: {  	_ =	shalt  }
0x7a: {  	_ =	shalt  }
0x7b: {  	_ =	shalt  }
0x7c: {  	_ =	shalt  }
0x7d: {  	_ =	shalt  }
0x7e: {  	_ =	shalt  }
0x7f: {  	_ =	shalt  }
0x80: {  	_ =	shalt  }
0x81: {  	_ =	shalt  }
0x82: {  	_ =	shalt  }
0x83: {  	_ =	shalt  }
0x84: {  	_ =	shalt  }
0x85: {  	_ =	shalt  }
0x86: {  	_ =	shalt  }
0x87: {  	_ =	shalt  }
.Lfunc_end0:
.L_simem_size_0:
called_computation_lowered:
.L_overlay_start_0:
0x88: {  	s2 =	sld [smem:$0x3FD9]  }
0x89: {  	s3 =	sld [smem:$0x3FFE];
	_ =	sdelay $0x1  }
0x8a: {  	s1 =	srdreg.scid  }
0x8b: {  	s0 =	sand.u32 $0x1, s1  }
0x8c: {  	s17 =	sshll.u32 s0, $0xA;
	s2 =	sadd.s32 s3, s2  }
0x8d: {  	s2 =	sadd.s32 s2, s17  }
0x8e: {  	[smem:$0x3FC3] =	sst s2  }
0x8f: {  	_ = 	snop  }
0x90: {  	s2 =	sld [smem:$0x3FC8]  }
0x91: {  	s18 =	sld [smem:$0x3FC7];
	(tm) =	ssettm $0x1  }
0x92: {  	s4 =	sld [smem:$0x3FFB];
	_ =	sdelay $0x3  }
0x93: {  	_ =	strace s4  }
0x94: {  	s4 =	sld [smem:$0x3FFC];
	_ =	sdelay $0x3  }
0x95: {  	_ =	strace s4  }
0x96: {  	s4 =	sld [smem:$0x3FFD];
	_ =	sdelay $0x3  }
0x97: {  	_ =	strace s4  }
0x98: {  	_ =	strace $0x8FFFFFFF  }
0x99: {  	s19 =	sld [smem:$0x3FDB];
	_ =	sdelay $0x1  }
0x9a: {  	s5 =	simm.s32 $_scs_section_size  }
0x9b: {  	s6 =	simm.s32 $_size__tile_overlayer_lowered;
	s7 =	simm.s32 $_tile_overlayer_lowered  }
0x9c: {  	s22 =	simm.s32 $0x1BFF;
	s21 =	sshll.u32 s7, $0x1;
	s4 =	sadd.s32 s5, s19  }
0x9d: {  	s8 =	simm.s32 $0x0;
	s20 =	sshll.u32 s6, $0x1;
	s6 =	sadd.s32 s21, s4  }
0x9e: {  	[timem:s8], [sflag:s22] =	dma.local [hbm:s6], s20  }
0x9f: {  	_ =	swait.ge [sflag:s22], s20  }
0xa0: {  	s5 =	ssub.s32 $0x0, s20;
	[sflag:s22] =	ssyncset.done $0x0  }
0xa1: {  	[sflag:s22] =	ssyncadd.s32 s5;
	_ =	sdelay $0x1  }
0xa2: {  	s23 =	simm.s32 $0x1B8B  }
0xa3: {  	_ =	swait.ge [sflag:s23], $0x1  }
0xa4: {  	[sflag:s23] =	ssyncset.done $0x0  }
0xa5: {  	s25 =	simm.s32 $0x1B8E;
	s24 =	sld [smem:$0x3FFE];
	[sflag:s23] =	ssyncadd.s32 $0xFFFFFFFF  }
0xa6: {  	s26 =	simm.s32 $execute0_lowered;
	[smem:$0x3FD2] =	sst s25  }
0xa7: {  	s6 =	sshll.u32 s26, $0x1;
	_ =	strace $0x80000046;
	[dreg:$0x1] =	wrdreg $0xFFFFFFFF  }
0xa8: {  	s28 =	simm.s32 $_size_execute0_lowered;
	s4 =	sadd.s32 s4, s6;
	[dreg:$0x0] =	wrdreg $0x0  }
0xa9: {  	s6 =	sshll.u32 s28, $0x1;
	[dreg:$0x2] =	wrdreg s4  }
0xaa: {  	[dreg:$0x3] =	wrdreg s6  }
0xab: {  	[dreg:$0x4] =	wrdreg $0xC0  }
0xac: {  	_ =	task [dreg:s8], $0x5FFFF  }
0xad: {  	[dreg:$0x1] =	wrdreg $0xFFFFFFFF  }
0xae: {  	[dreg:$0x0] =	wrdreg $0x60  }
0xaf: {  	[dreg:$0x2] =	wrdreg s2  }
0xb0: {  	[dreg:$0x3] =	wrdreg s18  }
0xb1: {  	[dreg:$0x4] =	wrdreg s24  }
0xb2: {  	[dreg:$0x5] =	wrdreg $0x9  }
0xb3: {  	_ =	task.clear_ibuf [dreg:s8], $0x6FFFF;
	_ =	strace $0x90000046  }
0xb4: {  	s29 =	simm.s32 $0x9;
	_ =	strace $0x80000048  }
0xb5: {  	_ =	swait.ge [sflag:s29], $0x1  }
0xb6: {  	[sflag:s29] =	ssyncadd.s32 $0xFFFFFFFF  }
0xb7: {  	_ =	strace $0x90000048  }
0xb8: {  	_ =	sfence  }
0xb9: {  	s30 =	sld [smem:$0x0];
	_ =	sdelay $0x2  }
0xba: {  	s31 =	sshll.u32 s1, $0xD;
	s1 =	sshrl.u32 s1, $0x2  }
0xbb: {  	s3 =	sand.u32 $0x4000, s31;
	s1 =	sadd.s32 s1, s30  }
0xbc: {  	s0 =	sor.u32 s3, s0;
	s1 =	sshll.u32 s1, $0x11  }
0xbd: {  	s0 =	sor.u32 s1, s0  }
0xbe: {  	s0 =	sadd.s32 $0x8F2B, s0  }
0xbf: {  	[sflag:s0] =	ssyncadd.remote.s32 $0x1  }
0xc0: {  	_ =	sfence.sel $0xFFFF  }
0xc1: {  	[dreg:$0x0] =	wrdreg $0xFFFFFFFF;
	(pc) =	sbr.abs _section_cstart, $3  }
0xc2: {  	[dreg:$0x1] =	wrdreg $0xFFFFFFFF  }
0xc3: {  	_ =	task.clear_ibuf [dreg:s8], $0x2FFFF;
	_ =	strace $0x9FFFFFFF  }
0xc4: {  	(tm) =	ssettm $0x7FFFFFFF  }
0xc5: {  	_ =	shalt  }
tec
execute0_lowered:
.L_overlay_start_1:
0x0: {  	(tag) =	ssettag $0x1  }
0x1: {  	s0 =	rddreg [dreg:$0x0]  }
0x2: {  	s1 =	rddreg [dreg:$0x1]  }
0x3: {  	s2 =	srdreg.scid;
	s10 =	stileid.u32  }
0x4: {  	s3 =	rddreg [dreg:$0x2];
	s7 =	smul.u32 $0x4E20, s10  }
0x5: {  	s11 =	simm.s32 $0x0;
	s5 =	sshrl.u32 s10, $0x2;
	s28 =	smul.u32 $0x9C40, s10  }
0x6: {  	s2 =	sand.u32 $0x1, s2;
	s4 =	sshll.u32 s10, $0x1;
	s5 =	smul.u32 $0x13C00, s5  }
0x7: {  	[smem:$0x7FF] =	sst s11;
	s4 =	sor.u32 s2, s4;
	s9 =	smul.u32 $0x2710, s2  }
0x8: {  	_ =	strace $0x80000047;
	s8 =	ssub.s32 $0x2, s2;
	s2 =	smul.u32 $0x4E20, s2  }
0x9: {  	s6 =	sshll.u32 s4, $0x7;
	s4 =	smul.u32 $0x2710, s4;
	s24 =	sshrl.u32 s8, $0x1  }
0xa: {  	s6 =	sand.u32 $0x380, s6;
	s25 =	sadd.s32 s9, s7;
	[dreg:$0x5] =	wrdreg s2  }
0xb: {  	s5 =	sor.u32 s5, s6;
	s23 =	sand.u32 $0x7FF80, s4;
	s4 =	sshrl.u32 s4, $0x3  }
0xc: {  	s26 =	sand.u32 $0xFFF80, s25;
	s5 =	sshrl.u32 s5, $0x3;
	s6 =	smin.u32 s23, $0x4BA00  }
0xd: {  	s1 =	sadd.s32 s1, s4;
	s29 =	smin.u32 s26, $0x4BA00;
	s6 =	sshrl.u32 s6, $0x2  }
0xe: {  	s3 =	sadd.s32 s5, s3;
	[smem:$0x7FA] =	sst s1;
	s0 =	sadd.s32 s0, s6  }
0xf: {  	s5 =	ssub.s32 s8, s24;
	s3 =	sadd.s32 $0xA00, s3;
	[smem:$0x7F9] =	sst s0  }
0x10: {  	s31 =	sshll.u32 s29, $0x1;
	s30 =	smax.u32 s5, $0x1;
	[smem:$0x7FB] =	sst s3  }
0x11: {  	s1 =	ssub.s32 s28, s31;
	[smem:$0x7FC] =	sst s30  }
0x12: {  	[smem:$0x7FD] =	sst s1;
	s0 =	ssub.s32 s25, s29  }
0x13: {  	v0 =	vimm.f32 $0.0e+00;
	s2 =	simm.s32 $0x0;
	[dreg:$0x4] =	wrdreg s0  }
.LBB2_1:
0x14: {  	s0 =	sld [smem:$0x7F9];
	_ =	sdelay $0x1  }
0x15: {  	s1 =	simm.s32 $0x2780;
	s28 =	sld [smem:$0x7FA]  }
0x16: {  	[tilespmem:s1], [sflag:$0x1] =	stream.linear.gather [hbm4b:s0+s11], $0x5000, $0x38;
	[tilespmem:$0x9F00] =	vst v63  }
0x17: {  	[smem:$0x7F8] =	sst s2;
	s29 =	simm.s32 $0x7780;
	s30 =	simm.s32 $0xC0  }
0x18: {  	[tilespmem:s29], [sflag:$0x2] =	stream.linear.gather [hbm4b:s28+s11], $0x2710, $0x38;
	[tilespmem:$0x9F00] =	vst v63  }
0x19: {  	[tilespmem:s30+$0xFFFFFF50] =	vst v0  }
0x1a: {  	[tilespmem:s30+$0xFFFFFF60] =	vst v0  }
0x1b: {  	[tilespmem:s30+$0xFFFFFF70] =	vst v0  }
0x1c: {  	[tilespmem:s30+$0xFFFFFF80] =	vst v0  }
0x1d: {  	[tilespmem:s30+$0xFFFFFF90] =	vst v0  }
0x1e: {  	[tilespmem:s30+$0xFFFFFFA0] =	vst v0  }
0x1f: {  	[tilespmem:s30+$0xFFFFFFB0] =	vst v0  }
0x20: {  	[tilespmem:s30+$0xFFFFFFD0] =	vst v0  }
0x21: {  	[tilespmem:s30+$0xFFFFFFE0] =	vst v0  }
0x22: {  	[tilespmem:s30+$0xFFFFFFF0] =	vst v0  }
0x23: {  	[tilespmem:s30+$0x0] =	vst v0  }
0x24: {  	[tilespmem:s30+$0x10] =	vst v0  }
0x25: {  	[tilespmem:s30+$0x20] =	vst v0  }
0x26: {  	[tilespmem:s30+$0x30] =	vst v0  }
0x27: {  	[tilespmem:s30+$0x50] =	vst v0  }
0x28: {  	[tilespmem:s30+$0x60] =	vst v0  }
0x29: {  	[tilespmem:s30+$0x70] =	vst v0  }
0x2a: {  	[tilespmem:s30+$0x80] =	vst v0  }
0x2b: {  	[tilespmem:s30+$0x90] =	vst v0  }
0x2c: {  	[tilespmem:s30+$0xA0] =	vst v0  }
0x2d: {  	[tilespmem:s30+$0xB0] =	vst v0  }
0x2e: {  	s31 =	sand.u32 $0x3FF0, s11;
	[tilespmem:s30+$0xFFFFFF40] =	vst v0  }
0x2f: {  	[tilespmem:s31+$0x180] =	vst v0  }
0x30: {  	[tilespmem:s31+$0x80] =	vst v0  }
0x31: {  	s2 =	simm.s32 $0x0;
	s0 =	simm.s32 $0x0;
	s1 =	simm.s32 $0x250;
	[tilespmem:s31+$0x100] =	vst v0  }
.LBB2_2:
0x32: {  	[tilespmem:s1+$0xFFFFFF50] =	vst v0  }
0x33: {  	[tilespmem:s1+$0xFFFFFF60] =	vst v0  }
0x34: {  	[tilespmem:s1+$0xFFFFFF70] =	vst v0  }
0x35: {  	[tilespmem:s1+$0xFFFFFF80] =	vst v0  }
0x36: {  	[tilespmem:s1+$0xFFFFFF90] =	vst v0  }
0x37: {  	[tilespmem:s1+$0xFFFFFFA0] =	vst v0  }
0x38: {  	[tilespmem:s1+$0xFFFFFFB0] =	vst v0  }
0x39: {  	[tilespmem:s1+$0xFFFFFFD0] =	vst v0  }
0x3a: {  	[tilespmem:s1+$0xFFFFFFE0] =	vst v0  }
0x3b: {  	[tilespmem:s1+$0xFFFFFFF0] =	vst v0  }
0x3c: {  	[tilespmem:s1+$0x0] =	vst v0  }
0x3d: {  	[tilespmem:s1+$0x10] =	vst v0  }
0x3e: {  	[tilespmem:s1+$0x20] =	vst v0  }
0x3f: {  	[tilespmem:s1+$0x30] =	vst v0  }
0x40: {  	[tilespmem:s1+$0x50] =	vst v0  }
0x41: {  	[tilespmem:s1+$0x60] =	vst v0  }
0x42: {  	[tilespmem:s1+$0x70] =	vst v0  }
0x43: {  	[tilespmem:s1+$0x80] =	vst v0  }
0x44: {  	s0 =	sadd.s32 $0x19, s0;
	[tilespmem:s1+$0x90] =	vst v0  }
0x45: {  	p0 =	slt.u32 s0, $0x258;
	[tilespmem:s1+$0xA0] =	vst v0  }
.Ltmp0:
0x46: {  	s2 =	sadd.s32 $0x190, s2;
	[tilespmem:s1+$0xB0] =	vst v0;
	(pc) =	sbr.rel @p0 .LBB2_2-.Ltmp0, $4  }
0x47: {  	s3 =	sand.u32 $0x3FF0, s2;
	[tilespmem:s1+$0xFFFFFF40] =	vst v0  }
0x48: {  	s1 =	sadd.s32 $0x190, s1;
	[tilespmem:s3+$0x180] =	vst v0  }
0x49: {  	[tilespmem:s3+$0x80] =	vst v0  }
0x4a: {  	[tilespmem:s3+$0x100] =	vst v0  }
0x4b: {  	s0 =	simm.s32 $0x1  }
0x4c: {  	_ =	swait.ge [sflag:s0], $0x5000  }
0x4d: {  	[sflag:s0] =	ssyncset.done $0x0  }
0x4e: {  	s3 =	simm.s32 $0x2;
	[sflag:s0] =	ssyncadd.s32 $0xFFFFB000  }
0x4f: {  	_ =	swait.ge [sflag:s3], $0x2710  }
0x50: {  	[sflag:s3] =	ssyncset.done $0x0  }
0x51: {  	s17 =	simm.s32 $0x7840;
	[sflag:s3] =	ssyncadd.s32 $0xFFFFD8F0  }
0x52: {  	v15 =	vld [tilespmem:s17+$0xFFFFFF40]  }
0x53: {  	v16 =	vld [tilespmem:s17+$0xFFFFFF50]  }
0x54: {  	v17 =	vld [tilespmem:s17+$0xFFFFFF60]  }
0x55: {  	v18 =	vld [tilespmem:s17+$0xFFFFFF70]  }
0x56: {  	v20 =	vld [tilespmem:s17+$0xFFFFFF80]  }
0x57: {  	v21 =	vld [tilespmem:s17+$0xFFFFFF90]  }
0x58: {  	s10 =	simm.s32 $0x0;
	s8 =	rddreg [dreg:$0x5];
	v22 =	vld [tilespmem:s17+$0xFFFFFFA0]  }
0x59: {  	s12 =	simm.s32 $0x180;
	s18 =	sand.u32 $0x70, s10;
	s1 =	rddreg [dreg:$0x4];
	v39 =	vld [tilespmem:s17+$0xFFFFFFB0]  }
0x5a: {  	s13 =	sand.u32 $0x7F80, s12;
	s7 =	sld [smem:$0x7FD];
	s0 =	sadd.s32 $0x180, s1;
	v3 =	vld [tilespmem:s17+$0xFFFFFFF0]  }
0x5b: {  	s2 =	sand.u32 $0x70, s0;
	s15 =	sadd.s32 $0xFFFFFE80, s0;
	s16 =	sadd.s32 $0xFFFFFE90, s0;
	v4 =	vld [tilespmem:s17+$0x0]  }
0x5c: {  	s5 =	sadd.s32 $0xFFFFFEA0, s0;
	s20 =	sadd.s32 $0xFFFFFEB0, s0;
	s22 =	sadd.s32 $0xFFFFFED0, s0;
	v5 =	vld [tilespmem:s17+$0x10]  }
0x5d: {  	s24 =	sadd.s32 $0xFFFFFEE0, s0;
	s26 =	sadd.s32 $0xFFFFFEF0, s0;
	s29 =	sadd.s32 $0xFFFFFF00, s0;
	v6 =	vld [tilespmem:s17+$0x20]  }
0x5e: {  	s31 =	sadd.s32 $0xFFFFFF10, s0;
	v7 =	vld [tilespmem:s17+$0x30];
	s19 =	sadd.s32 s7, s8;
	s3 =	sand.u32 $0x70, s16  }
0x5f: {  	v8 =	vld [tilespmem:s17+$0x50];
	s5 =	sand.u32 $0x70, s5;
	s16 =	sadd.s32 $0xFFFFFF30, s0;
	s9 =	sadd.s32 $0x300, s19  }
0x60: {  	v9 =	vld [tilespmem:s17+$0x60];
	s14 =	sadd.s32 $0x20, s19;
	s4 =	sand.u32 $0xFFFFFF00, s19;
	s6 =	sadd.s32 $0x40, s19  }
0x61: {  	v11 =	vld [tilespmem:s17+$0x70];
	s8 =	sadd.s32 $0x60, s19;
	s21 =	sadd.s32 $0x80, s19;
	s23 =	sadd.s32 $0xA0, s19  }
0x62: {  	v12 =	vld [tilespmem:s17+$0x80];
	s25 =	sadd.s32 $0xC0, s19;
	s28 =	sadd.s32 $0xE0, s19;
	s30 =	sadd.s32 $0x100, s19  }
0x63: {  	v10 =	vld [tilespmem:s17+$0x90];
	s10 =	sadd.s32 $0x120, s19;
	s1 =	sand.u32 $0xFFFFFF00, s9;
	s9 =	sadd.s32 $0xFFFFFEC0, s0  }
0x64: {  	v13 =	vld [tilespmem:s17+$0xA0];
	s6 =	sand.u32 $0xFFFFFF00, s6;
	s8 =	sand.u32 $0xFFFFFF00, s8;
	s1 =	sor.u32 s2, s1  }
0x65: {  	v14 =	vld [tilespmem:s17+$0xB0];
	s2 =	sand.u32 $0x70, s15;
	s5 =	sor.u32 s5, s6;
	s9 =	sand.u32 $0x70, s9  }
0x66: {  	s6 =	sand.u32 $0xFFFFFF00, s23;
	s23 =	sadd.s32 $0xFFFFFF50, s0;
	v1 =	vld [tilespmem:s1+$0x2780];
	s1 =	sor.u32 s18, s13  }
0x67: {  	s2 =	sor.u32 s2, s4;
	s4 =	sand.u32 $0x70, s20;
	v43 =	vld [tilespmem:s5+$0x2780];
	s13 =	sadd.s32 $0xFFFFFF20, s0  }
0x68: {  	s5 =	sand.u32 $0x70, s31;
	s20 =	sadd.s32 $0x160, s19;
	v2 =	vld [tilespmem:s1+$0x7780];
	s1 =	sand.u32 $0xFFFFFF00, s14  }
0x69: {  	v19 =	vld [tilespmem:s2+$0x2780];
	s4 =	sor.u32 s4, s8;
	s2 =	sand.u32 $0xFFFFFF00, s21;
	s8 =	sand.u32 $0x70, s24  }
0x6a: {  	s14 =	sadd.s32 $0x140, s19;
	s15 =	sand.u32 $0x70, s13;
	s1 =	sor.u32 s3, s1;
	v44 =	vld [tilespmem:s4+$0x2780]  }
0x6b: {  	s21 =	sadd.s32 $0xFFFFFF40, s0;
	s3 =	sand.u32 $0x70, s22;
	s2 =	sor.u32 s9, s2;
	v40 =	vld [tilespmem:s1+$0x2780]  }
0x6c: {  	s24 =	sadd.s32 $0x1A0, s19;
	s9 =	sand.u32 $0xFFFFFF00, s25;
	s3 =	sor.u32 s3, s6;
	v45 =	vld [tilespmem:s2+$0x2780]  }
0x6d: {  	s4 =	sand.u32 $0xFFFFFF00, s10;
	s22 =	sadd.s32 $0x180, s19;
	s8 =	sor.u32 s8, s9;
	v46 =	vld [tilespmem:s3+$0x2780]  }
0x6e: {  	s6 =	sand.u32 $0x70, s26;
	s1 =	sand.u32 $0xFFFFFF00, s28;
	s4 =	sor.u32 s5, s4;
	v47 =	vld [tilespmem:s8+$0x2780]  }
0x6f: {  	s25 =	sadd.s32 $0xFFFFFF60, s0;
	s2 =	sand.u32 $0xFFFFFF00, s14;
	s1 =	sor.u32 s6, s1;
	v27 =	vld [tilespmem:s4+$0x2780]  }
0x70: {  	s9 =	sand.u32 $0x70, s29;
	s6 =	sand.u32 $0xFFFFFF00, s30;
	s2 =	sor.u32 s15, s2;
	v48 =	vld [tilespmem:s1+$0x2780]  }
0x71: {  	s5 =	sand.u32 $0xFFFFFF00, s20;
	s3 =	sand.u32 $0x70, s16;
	s6 =	sor.u32 s9, s6;
	v32 =	vld [tilespmem:s2+$0x2780]  }
0x72: {  	s8 =	sand.u32 $0x70, s21;
	s3 =	sor.u32 s3, s5;
	s1 =	sand.u32 $0xFFFFFF00, s22;
	v23 =	vld [tilespmem:s6+$0x2780]  }
0x73: {  	s10 =	sadd.s32 $0xFFFFFFA0, s0;
	s26 =	sadd.s32 $0x1C0, s19;
	s1 =	sor.u32 s8, s1;
	v33 =	vld [tilespmem:s3+$0x2780]  }
0x74: {  	s28 =	sadd.s32 $0xFFFFFF70, s0;
	s29 =	sadd.s32 $0x1E0, s19;
	s14 =	sadd.s32 $0xFFFFFFB0, s0;
	v31 =	vld [tilespmem:s1+$0x2780]  }
0x75: {  	s20 =	sadd.s32 $0xFFFFFFC0, s0;
	s4 =	sand.u32 $0x70, s25;
	s30 =	sadd.s32 $0xFFFFFF80, s0;
	[tilespmem:v1+s11+$0x0] =	vst.idx.add.f32.msk $0xffff, v2  }
0x76: {  	s25 =	sadd.s32 $0xFFFFFFE0, s0;
	s5 =	sand.u32 $0x70, s23;
	s6 =	sand.u32 $0xFFFFFF00, s24;
	v1 =	vld [tilespmem:s17+$0xFFFFFFD0]  }
0x77: {  	s2 =	sand.u32 $0x70, s28;
	s3 =	sand.u32 $0xFFFFFF00, s29;
	s5 =	sor.u32 s5, s6;
	v2 =	vld [tilespmem:s17+$0xFFFFFFE0]  }
0x78: {  	s22 =	sadd.s32 $0xFFFFFFD0, s0;
	s28 =	sadd.s32 $0x2E0, s19;
	s2 =	sor.u32 s2, s3;
	v36 =	vld [tilespmem:s5+$0x2780]  }
0x79: {  	s8 =	sadd.s32 $0xFFFFFF90, s0;
	s0 =	sadd.s32 $0xFFFFFFF0, s0;
	s6 =	sand.u32 $0xFFFFFF00, s26;
	v29 =	vld [tilespmem:s2+$0x2780]  }
0x7a: {  	s29 =	sand.u32 $0xFFFFFF00, s28;
	s0 =	sand.u32 $0x70, s0;
	s4 =	sor.u32 s4, s6;
	[tilespmem:v43+s11+$0x0] =	vst.idx.add.f32.msk $0xffff, v17  }
0x7b: {  	s31 =	sadd.s32 $0x200, s19;
	s0 =	sor.u32 s0, s29;
	v37 =	vld [tilespmem:s4+$0x2780]  }
0x7c: {  	s9 =	sadd.s32 $0x220, s19;
	s1 =	sand.u32 $0xFFFFFF00, s31;
	s6 =	sand.u32 $0x70, s30;
	v35 =	vld [tilespmem:s0+$0x2780]  }
0x7d: {  	s3 =	sand.u32 $0xFFFFFF00, s9;
	s5 =	sand.u32 $0x70, s8;
	s1 =	sor.u32 s6, s1;
	[tilespmem:v19+s11+$0x0] =	vst.idx.add.f32.msk $0xffff, v15  }
0x7e: {  	s13 =	sadd.s32 $0x240, s19;
	s3 =	sor.u32 s5, s3;
	v30 =	vld [tilespmem:s1+$0x2780]  }
0x7f: {  	s31 =	simm.s32 $0x100;
	s2 =	sand.u32 $0xFFFFFF00, s13;
	s4 =	sand.u32 $0x70, s10;
	v28 =	vld [tilespmem:s3+$0x2780]  }
0x80: {  	s0 =	sand.u32 $0x7F80, s31;
	s2 =	sor.u32 s4, s2;
	[tilespmem:v44+s11+$0x0] =	vst.idx.add.f32.msk $0xffff, v18  }
0x81: {  	s0 =	sor.u32 s18, s0;
	v25 =	vld [tilespmem:s2+$0x2780]  }
0x82: {  	s15 =	sadd.s32 $0x260, s19;
	v41 =	vld [tilespmem:s0+$0x7780]  }
0x83: {  	s16 =	sand.u32 $0x70, s14;
	s1 =	sand.u32 $0xFFFFFF00, s15;
	[tilespmem:v40+s11+$0x0] =	vst.idx.add.f32.msk $0xffff, v16  }
0x84: {  	s21 =	sadd.s32 $0x280, s19;
	s1 =	sor.u32 s16, s1;
	[tilespmem:v45+s11+$0x0] =	vst.idx.add.f32.msk $0xffff, v20  }
0x85: {  	s23 =	sadd.s32 $0x2A0, s19;
	s3 =	sand.u32 $0xFFFFFF00, s21;
	s2 =	sand.u32 $0x70, s20;
	v26 =	vld [tilespmem:s1+$0x2780]  }
0x86: {  	s24 =	sand.u32 $0x70, s22;
	s2 =	sor.u32 s2, s3;
	s1 =	sand.u32 $0xFFFFFF00, s23;
	[tilespmem:v46+s11+$0x0] =	vst.idx.add.f32.msk $0xffff, v21  }
0x87: {  	s26 =	sadd.s32 $0x2C0, s19;
	s1 =	sor.u32 s24, s1;
	v34 =	vld [tilespmem:s2+$0x2780]  }
0x88: {  	s2 =	sand.u32 $0xFFFFFF00, s26;
	v24 =	vld [tilespmem:s1+$0x2780];
	s1 =	sand.u32 $0x70, s25  }
0x89: {  	s30 =	simm.s32 $0x80;
	[tilespmem:v47+s11+$0x0] =	vst.idx.add.f32.msk $0xffff, v22;
	s1 =	sor.u32 s1, s2  }
0x8a: {  	v38 =	vld [tilespmem:s1+$0x2780];
	s1 =	sand.u32 $0x7F80, s30  }
0x8b: {  	[tilespmem:v48+s11+$0x0] =	vst.idx.add.f32.msk $0xffff, v39;
	s1 =	sor.u32 s18, s1  }
0x8c: {  	s2 =	simm.s32 $0x0;
	v42 =	vld [tilespmem:s1+$0x7780]  }
.LBB2_4:
0x8d: {  	s0 =	rddreg [dreg:$0x5]  }
0x8e: {  	s2 =	sadd.s32 $0x19, s2;
	s1 =	rddreg [dreg:$0x4]  }
0x8f: {  	s7 =	sadd.s32 $0x320, s7;
	s12 =	sadd.s32 $0x190, s12;
	[dreg:$0x7] =	wrdreg s2  }
0x90: {  	[dreg:$0x8] =	wrdreg s7;
	s4 =	sadd.s32 $0xFFFFFE80, s12  }
0x91: {  	[dreg:$0x6] =	wrdreg s12;
	s23 =	sadd.s32 s12, s1;
	s4 =	sand.u32 $0x70, s4  }
0x92: {  	s24 =	sadd.s32 $0xFFFFFED0, s23;
	[dreg:$0x9] =	wrdreg s4  }
0x93: {  	s15 =	sadd.s32 $0xFFFFFF20, s23;
	[dreg:$0xd] =	wrdreg s24  }
0x94: {  	s21 =	sadd.s32 s7, s0;
	s25 =	sadd.s32 $0xFFFFFF30, s23;
	[dreg:$0xe] =	wrdreg s15  }
0x95: {  	s26 =	sadd.s32 $0x160, s21;
	[dreg:$0xf] =	wrdreg s25  }
0x96: {  	p0 =	slt.u32 s2, $0x258;
	s28 =	sadd.s32 $0x180, s21;
	[dreg:$0x10] =	wrdreg s26  }
0x97: {  	s22 =	sand.u32 $0x7F80, s12;
	s29 =	sadd.s32 $0xFFFFFF50, s23;
	[dreg:$0x11] =	wrdreg s28  }
0x98: {  	s5 =	sadd.s32 $0x20, s21;
	s31 =	sadd.s32 $0xFFFFFF60, s23;
	[dreg:$0x12] =	wrdreg s29  }
0x99: {  	s0 =	sadd.s32 $0x300, s21;
	[dreg:$0x13] =	wrdreg s31;
	s26 =	sadd.s32 $0x1C0, s21  }
0x9a: {  	s20 =	sand.u32 $0x70, s23;
	s28 =	sadd.s32 $0x1E0, s21;
	[dreg:$0x14] =	wrdreg s26  }
0x9b: {  	s1 =	sadd.s32 $0xFFFFFEA0, s23;
	s29 =	sadd.s32 $0xFFFFFF90, s23;
	[dreg:$0x15] =	wrdreg s28  }
0x9c: {  	s2 =	sadd.s32 $0x40, s21;
	s15 =	sadd.s32 $0x240, s21;
	[dreg:$0x16] =	wrdreg s29  }
0x9d: {  	s13 =	sadd.s32 $0xFFFFFEB0, s23;
	s1 =	sand.u32 $0x70, s1;
	[smem:$0x7E1] =	sst s15  }
0x9e: {  	s3 =	sand.u32 $0xFFFFFF00, s0;
	s29 =	sadd.s32 $0x220, s21;
	[dreg:$0xc] =	wrdreg s1  }
0x9f: {  	s0 =	sadd.s32 $0xFFFFFE90, s23;
	s15 =	sadd.s32 $0xFFFFFFB0, s23;
	[dreg:$0x17] =	wrdreg s29  }
0xa0: {  	s5 =	sand.u32 $0xFFFFFF00, s5;
	s0 =	sand.u32 $0x70, s0;
	[dreg:$0x18] =	wrdreg s15  }
0xa1: {  	s15 =	sadd.s32 $0x260, s21;
	s0 =	sor.u32 s0, s5;
	s5 =	rddreg [dreg:$0xc]  }
0xa2: {  	s16 =	sadd.s32 $0x80, s21;
	[tilespmem:v23+s11+$0x0] =	vst.idx.add.f32.msk $0xffff, v42;
	[dreg:$0xb] =	wrdreg s15;
	s15 =	sadd.s32 $0xFFFFFFC0, s23  }
0xa3: {  	s18 =	sadd.s32 $0xFFFFFEE0, s23;
	[tilespmem:v27+s11+$0x0] =	vst.idx.add.f32.msk $0xffff, v1;
	[dreg:$0x19] =	wrdreg s15;
	s15 =	sadd.s32 $0x280, s21  }
0xa4: {  	s10 =	sadd.s32 $0x120, s21;
	[tilespmem:v32+s11+$0x0] =	vst.idx.add.f32.msk $0xffff, v2;
	[dreg:$0x1a] =	wrdreg s15;
	s15 =	sadd.s32 $0x2A0, s21  }
0xa5: {  	[tilespmem:v33+s11+$0x0] =	vst.idx.add.f32.msk $0xffff, v3;
	s3 =	sor.u32 s20, s3;
	[dreg:$0x1b] =	wrdreg s15;
	s15 =	sadd.s32 $0xFFFFFFE0, s23  }
0xa6: {  	v1 =	vld [tilespmem:s3+$0x2780];
	s3 =	sor.u32 s4, s22;
	[dreg:$0x1c] =	wrdreg s15;
	s15 =	sadd.s32 $0x2C0, s21  }
0xa7: {  	[tilespmem:v31+s11+$0x0] =	vst.idx.add.f32.msk $0xffff, v4;
	[dreg:$0xa] =	wrdreg s15;
	s15 =	sadd.s32 $0xFFFFFF00, s12;
	s12 =	sadd.s32 $0xFFFFFF80, s12  }
0xa8: {  	v2 =	vld [tilespmem:s3+$0x7780];
	s3 =	sadd.s32 $0xC0, s21;
	[smem:$0x7E4] =	sst s12;
	s12 =	sand.u32 $0xFFFFFF00, s2  }
0xa9: {  	[tilespmem:v36+s11+$0x0] =	vst.idx.add.f32.msk $0xffff, v5;
	s2 =	sand.u32 $0x70, s13;
	s13 =	sand.u32 $0xFFFFFF00, s16;
	s16 =	sand.u32 $0x70, s18  }
0xaa: {  	[tilespmem:v37+s11+$0x0] =	vst.idx.add.f32.msk $0xffff, v6;
	s18 =	sand.u32 $0xFFFFFF00, s3;
	s3 =	sand.u32 $0xFFFFFF00, s10;
	s10 =	rddreg [dreg:$0xe]  }
0xab: {  	[tilespmem:v29+s11+$0x0] =	vst.idx.add.f32.msk $0xffff, v7;
	[dreg:$0x1d] =	wrdreg s12  }
0xac: {  	s6 =	sadd.s32 $0xFFFFFE80, s23;
	[tilespmem:v30+s11+$0x0] =	vst.idx.add.f32.msk $0xffff, v41;
	[smem:$0x7E5] =	sst s13  }
0xad: {  	s30 =	sadd.s32 $0xFFFFFEC0, s23;
	s7 =	sadd.s32 $0xFFFFFEF0, s23;
	[tilespmem:v28+s11+$0x0] =	vst.idx.add.f32.msk $0xffff, v8;
	[smem:$0x7E7] =	sst s16  }
0xae: {  	s8 =	sadd.s32 $0xFFFFFF00, s23;
	s24 =	sadd.s32 $0xFFFFFF40, s23;
	[tilespmem:v25+s11+$0x0] =	vst.idx.add.f32.msk $0xffff, v9;
	[smem:$0x7E8] =	sst s18  }
0xaf: {  	s25 =	sadd.s32 $0x1A0, s21;
	s31 =	sadd.s32 $0xFFFFFF80, s23;
	[tilespmem:v26+s11+$0x0] =	vst.idx.add.f32.msk $0xffff, v11;
	[smem:$0x7EB] =	sst s3  }
0xb0: {  	s20 =	sadd.s32 $0xFFFFFF10, s23;
	[tilespmem:v34+s11+$0x0] =	vst.idx.add.f32.msk $0xffff, v12;
	s26 =	sadd.s32 $0xFFFFFF70, s23;
	s13 =	rddreg [dreg:$0xf]  }
0xb1: {  	[tilespmem:v24+s11+$0x0] =	vst.idx.add.f32.msk $0xffff, v10;
	s29 =	sadd.s32 $0xFFFFFFA0, s23;
	s12 =	sand.u32 $0x70, s30;
	s18 =	rddreg [dreg:$0x11]  }
0xb2: {  	[tilespmem:v38+s11+$0x0] =	vst.idx.add.f32.msk $0xffff, v13;
	s30 =	sand.u32 $0x70, s20;
	s20 =	sand.u32 $0xFFFFFF00, s25;
	s25 =	rddreg [dreg:$0x15]  }
0xb3: {  	[tilespmem:v35+s11+$0x0] =	vst.idx.add.f32.msk $0xffff, v14;
	s16 =	sand.u32 $0x70, s24;
	s24 =	sand.u32 $0x70, s26;
	s26 =	rddreg [dreg:$0x16]  }
0xb4: {  	[tilespmem:v1+s11+$0x0] =	vst.idx.add.f32.msk $0xffff, v2;
	s11 =	sadd.s32 $0xFFFFFFD0, s23;
	s23 =	sadd.s32 $0xFFFFFFF0, s23;
	s3 =	rddreg [dreg:$0x19]  }
0xb5: {  	[smem:$0x7E2] =	sst s23  }
0xb6: {  	[dreg:$0x1f] =	wrdreg s12  }
0xb7: {  	[smem:$0x7EA] =	sst s30  }
0xb8: {  	[smem:$0x7F0] =	sst s16  }
0xb9: {  	s22 =	sadd.s32 $0x140, s21;
	[smem:$0x7F3] =	sst s20  }
0xba: {  	s12 =	sand.u32 $0xFFFFFF00, s22;
	s22 =	rddreg [dreg:$0x13]  }
0xbb: {  	[smem:$0x7F6] =	sst s24  }
0xbc: {  	s17 =	sadd.s32 $0x190, s17;
	s20 =	sand.u32 $0x70, s29;
	s29 =	sld [smem:$0x7E1]  }
0xbd: {  	s14 =	sadd.s32 $0x60, s21;
	s19 =	sadd.s32 $0xE0, s21;
	s30 =	rddreg [dreg:$0x18]  }
0xbe: {  	s9 =	sadd.s32 $0x100, s21;
	s6 =	sand.u32 $0x70, s6;
	s16 =	rddreg [dreg:$0xa]  }
0xbf: {  	s23 =	sadd.s32 $0x2E0, s21;
	s24 =	sand.u32 $0x70, s3;
	s3 =	sld [smem:$0x7E4]  }
0xc0: {  	s28 =	sadd.s32 $0x200, s21;
	s4 =	sadd.s32 $0xA0, s21;
	[smem:$0x7E3] =	sst s23  }
0xc1: {  	v15 =	vld [tilespmem:s17+$0xFFFFFF40];
	s21 =	sand.u32 $0xFFFFFF00, s21;
	s23 =	sand.u32 $0xFFFFFF00, s14;
	s14 =	rddreg [dreg:$0xd]  }
0xc2: {  	v16 =	vld [tilespmem:s17+$0xFFFFFF50];
	s21 =	sor.u32 s6, s21;
	s6 =	rddreg [dreg:$0x1d]  }
0xc3: {  	v17 =	vld [tilespmem:s17+$0xFFFFFF60];
	[dreg:$0x1e] =	wrdreg s23  }
0xc4: {  	v18 =	vld [tilespmem:s17+$0xFFFFFF70];
	s1 =	sand.u32 $0x70, s14;
	s14 =	rddreg [dreg:$0x10]  }
0xc5: {  	v19 =	vld [tilespmem:s17+$0xFFFFFF80];
	s23 =	sand.u32 $0xFFFFFF00, s19;
	s19 =	rddreg [dreg:$0x12]  }
0xc6: {  	v20 =	vld [tilespmem:s17+$0xFFFFFF90];
	[smem:$0x7E6] =	sst s1  }
0xc7: {  	v21 =	vld [tilespmem:s17+$0xFFFFFFA0];
	[smem:$0x7E9] =	sst s23  }
0xc8: {  	v22 =	vld [tilespmem:s17+$0xFFFFFFB0];
	s23 =	rddreg [dreg:$0x14]  }
0xc9: {  	v3 =	vld [tilespmem:s17+$0xFFFFFFF0];
	s1 =	sand.u32 $0x70, s10;
	s10 =	rddreg [dreg:$0x1a]  }
0xca: {  	v4 =	vld [tilespmem:s17+$0x0];
	[smem:$0x7EC] =	sst s1  }
0xcb: {  	v5 =	vld [tilespmem:s17+$0x10];
	s1 =	sand.u32 $0x70, s13;
	s13 =	rddreg [dreg:$0x1c]  }
0xcc: {  	v6 =	vld [tilespmem:s17+$0x20];
	[smem:$0x7EE] =	sst s1;
	s1 =	sand.u32 $0xFFFFFF00, s14  }
0xcd: {  	v7 =	vld [tilespmem:s17+$0x30];
	[smem:$0x7EF] =	sst s1;
	s1 =	sand.u32 $0xFFFFFF00, s18  }
0xce: {  	v8 =	vld [tilespmem:s17+$0x50];
	[smem:$0x7F1] =	sst s1  }
0xcf: {  	v9 =	vld [tilespmem:s17+$0x60];
	s1 =	sand.u32 $0x70, s19;
	s19 =	sld [smem:$0x7E2]  }
0xd0: {  	s7 =	sand.u32 $0x70, s7;
	s8 =	sand.u32 $0x70, s8;
	v11 =	vld [tilespmem:s17+$0x70];
	[smem:$0x7F2] =	sst s1  }
0xd1: {  	v12 =	vld [tilespmem:s17+$0x80];
	s1 =	sand.u32 $0x70, s22;
	s22 =	sand.u32 $0x70, s26;
	s26 =	sld [smem:$0x7E3]  }
0xd2: {  	s9 =	sand.u32 $0xFFFFFF00, s9;
	v10 =	vld [tilespmem:s17+$0x90];
	s4 =	sand.u32 $0xFFFFFF00, s4;
	[smem:$0x7F4] =	sst s1  }
0xd3: {  	v13 =	vld [tilespmem:s17+$0xA0];
	s1 =	sand.u32 $0xFFFFFF00, s23;
	s23 =	sand.u32 $0xFFFFFF00, s28;
	s28 =	rddreg [dreg:$0x17]  }
0xd4: {  	v14 =	vld [tilespmem:s17+$0xB0];
	s18 =	sand.u32 $0x70, s11;
	[smem:$0x7F5] =	sst s1;
	s1 =	sand.u32 $0xFFFFFF00, s25  }
0xd5: {  	v40 =	vld [tilespmem:s0+$0x2780];
	s25 =	sand.u32 $0x70, s31;
	s14 =	sand.u32 $0xFFFFFF00, s28;
	s31 =	rddreg [dreg:$0xb]  }
0xd6: {  	v1 =	vld [tilespmem:s17+$0xFFFFFFD0];
	s28 =	sand.u32 $0xFFFFFF00, s29;
	s29 =	sand.u32 $0x70, s30;
	[smem:$0x7F7] =	sst s1  }
0xd7: {  	v2 =	vld [tilespmem:s17+$0xFFFFFFE0];
	s11 =	sand.u32 $0x70, s19;
	s19 =	sand.u32 $0xFFFFFF00, s26;
	s26 =	rddreg [dreg:$0x1e]  }
0xd8: {  	v39 =	vld [tilespmem:s21+$0x2780];
	s30 =	sand.u32 $0xFFFFFF00, s31;
	s1 =	sor.u32 s5, s6;
	s6 =	sld [smem:$0x7E5]  }
0xd9: {  	s31 =	sand.u32 $0xFFFFFF00, s10;
	s5 =	rddreg [dreg:$0x1f];
	s23 =	sor.u32 s25, s23;
	v43 =	vld [tilespmem:s1+$0x2780]  }
0xda: {  	s14 =	sor.u32 s22, s14;
	s21 =	sor.u32 s2, s26;
	s26 =	sld [smem:$0x7E6];
	v30 =	vld [tilespmem:s23+$0x2780]  }
0xdb: {  	s25 =	sor.u32 s20, s28;
	v28 =	vld [tilespmem:s14+$0x2780];
	s2 =	sor.u32 s5, s6;
	s5 =	sld [smem:$0x7E8]  }
0xdc: {  	s10 =	sand.u32 $0xFFFFFF00, s16;
	s16 =	sand.u32 $0x7F80, s3;
	v25 =	vld [tilespmem:s25+$0x2780];
	s6 =	sld [smem:$0x7E9]  }
0xdd: {  	s28 =	sor.u32 s24, s31;
	v44 =	vld [tilespmem:s21+$0x2780];
	s3 =	sor.u32 s26, s4;
	s4 =	sld [smem:$0x7E7]  }
0xde: {  	[smem:$0x7ED] =	sst s12;
	s13 =	sand.u32 $0x70, s13;
	s11 =	sor.u32 s11, s19;
	v34 =	vld [tilespmem:s28+$0x2780]  }
0xdf: {  	s10 =	sor.u32 s13, s10;
	v35 =	vld [tilespmem:s11+$0x2780];
	s11 =	simm.s32 $0x0;
	s26 =	sld [smem:$0x7ED]  }
0xe0: {  	v38 =	vld [tilespmem:s10+$0x2780];
	s0 =	sor.u32 s4, s5;
	s4 =	sor.u32 s7, s6;
	s7 =	sld [smem:$0x7EA]  }
0xe1: {  	[tilespmem:v39+s11+$0x0] =	vst.idx.add.f32.msk $0xffff, v15;
	s5 =	sor.u32 s8, s9;
	s8 =	sld [smem:$0x7EB]  }
0xe2: {  	[tilespmem:v40+s11+$0x0] =	vst.idx.add.f32.msk $0xffff, v16;
	s9 =	sld [smem:$0x7EC]  }
0xe3: {  	s21 =	sld [smem:$0x7F0];
	v45 =	vld [tilespmem:s2+$0x2780]  }
0xe4: {  	v46 =	vld [tilespmem:s3+$0x2780];
	s1 =	sor.u32 s7, s8;
	s8 =	sld [smem:$0x7EE]  }
0xe5: {  	v47 =	vld [tilespmem:s0+$0x2780];
	s6 =	sor.u32 s9, s26;
	s9 =	sld [smem:$0x7EF]  }
0xe6: {  	v48 =	vld [tilespmem:s4+$0x2780];
	s26 =	sld [smem:$0x7F1]  }
0xe7: {  	v23 =	vld [tilespmem:s5+$0x2780]  }
0xe8: {  	[tilespmem:v43+s11+$0x0] =	vst.idx.add.f32.msk $0xffff, v17;
	s7 =	sor.u32 s8, s9;
	s9 =	sld [smem:$0x7F2]  }
0xe9: {  	[tilespmem:v44+s11+$0x0] =	vst.idx.add.f32.msk $0xffff, v18;
	s21 =	sor.u32 s21, s26;
	s26 =	sld [smem:$0x7F3]  }
0xea: {  	v27 =	vld [tilespmem:s1+$0x2780]  }
0xeb: {  	v32 =	vld [tilespmem:s6+$0x2780]  }
0xec: {  	[tilespmem:v45+s11+$0x0] =	vst.idx.add.f32.msk $0xffff, v19;
	s8 =	sor.u32 s9, s26;
	s9 =	sld [smem:$0x7F4]  }
0xed: {  	[tilespmem:v46+s11+$0x0] =	vst.idx.add.f32.msk $0xffff, v20;
	s26 =	sld [smem:$0x7F5]  }
0xee: {  	v33 =	vld [tilespmem:s7+$0x2780]  }
0xef: {  	s2 =	sld [smem:$0x7F6];
	v31 =	vld [tilespmem:s21+$0x2780]  }
0xf0: {  	[tilespmem:v47+s11+$0x0] =	vst.idx.add.f32.msk $0xffff, v21;
	s9 =	sor.u32 s9, s26;
	s26 =	sld [smem:$0x7F7]  }
0xf1: {  	[tilespmem:v48+s11+$0x0] =	vst.idx.add.f32.msk $0xffff, v22  }
0xf2: {  	v36 =	vld [tilespmem:s8+$0x2780]  }
0xf3: {  	s12 =	rddreg [dreg:$0x1b];
	v37 =	vld [tilespmem:s9+$0x2780];
	s2 =	sor.u32 s2, s26  }
.Ltmp1:
0xf4: {  	s12 =	sand.u32 $0xFFFFFF00, s12;
	s26 =	sor.u32 s29, s30;
	v29 =	vld [tilespmem:s2+$0x2780];
	(pc) =	sbr.rel @p0 .LBB2_4-.Ltmp1, $4  }
0xf5: {  	s15 =	sand.u32 $0x7F80, s15;
	s29 =	sor.u32 s18, s12;
	s30 =	rddreg [dreg:$0x9];
	v26 =	vld [tilespmem:s26+$0x2780]  }
0xf6: {  	s7 =	rddreg [dreg:$0x8];
	s31 =	sor.u32 s30, s15;
	v24 =	vld [tilespmem:s29+$0x2780]  }
0xf7: {  	s12 =	sor.u32 s30, s16;
	s2 =	rddreg [dreg:$0x7];
	v42 =	vld [tilespmem:s31+$0x7780]  }
0xf8: {  	v41 =	vld [tilespmem:s12+$0x7780];
	s12 =	rddreg [dreg:$0x6]  }
0xf9: {  	_ =	sdelay $0x3  }
0xfa: {  	[tilespmem:v27+s11+$0x0] =	vst.idx.add.f32.msk $0xffff, v1  }
0xfb: {  	[tilespmem:v32+s11+$0x0] =	vst.idx.add.f32.msk $0xffff, v2  }
0xfc: {  	[tilespmem:v33+s11+$0x0] =	vst.idx.add.f32.msk $0xffff, v3  }
0xfd: {  	[tilespmem:v31+s11+$0x0] =	vst.idx.add.f32.msk $0xffff, v4  }
0xfe: {  	[tilespmem:v36+s11+$0x0] =	vst.idx.add.f32.msk $0xffff, v5  }
0xff: {  	[tilespmem:v37+s11+$0x0] =	vst.idx.add.f32.msk $0xffff, v6  }
0x100: {  	[tilespmem:v29+s11+$0x0] =	vst.idx.add.f32.msk $0xffff, v7  }
0x101: {  	[tilespmem:v28+s11+$0x0] =	vst.idx.add.f32.msk $0xffff, v8  }
0x102: {  	[tilespmem:v25+s11+$0x0] =	vst.idx.add.f32.msk $0xffff, v9  }
0x103: {  	[tilespmem:v34+s11+$0x0] =	vst.idx.add.f32.msk $0xffff, v12  }
0x104: {  	[tilespmem:v38+s11+$0x0] =	vst.idx.add.f32.msk $0xffff, v13  }
0x105: {  	[tilespmem:v35+s11+$0x0] =	vst.idx.add.f32.msk $0xffff, v14  }
0x106: {  	[tilespmem:v26+s11+$0x0] =	vst.idx.add.f32.msk $0xffff, v11  }
0x107: {  	[tilespmem:v24+s11+$0x0] =	vst.idx.add.f32.msk $0xffff, v10  }
0x108: {  	[tilespmem:v23+s11+$0x0] =	vst.idx.add.f32.msk $0xffff, v42  }
0x109: {  	[tilespmem:v30+s11+$0x0] =	vst.idx.add.f32.msk $0xffff, v41  }
0x10a: {  	s0 =	sld [smem:$0x7FB];
	_ =	sdelay $0x1  }
0x10b: {  	s1 =	simm.s32 $0x80;
	s2 =	simm.s32 $0x400;
	s29 =	simm.s32 $0x3  }
0x10c: {  	[hbm4b:s0+s1] =	stream.strided.scatter [tilespmem:s11], [sflag:$0x3], $0x2780, s2, s1, $0x38;
	[tilespmem:$0x9F00] =	vst v63  }
0x10d: {  	_ =	swait.ge [sflag:s29], $0x2780  }
0x10e: {  	s30 =	sld [smem:$0x7F8]  }
0x10f: {  	s31 =	sld [smem:$0x7FC];
	_ =	sdelay $0x1  }
0x110: {  	s2 =	sadd.s32 $0x1, s30  }
0x111: {  	p0 =	sne.s32 s2, s31  }
.Ltmp2:
0x112: {  	_ = 	snop;
	(pc) =	sbr.rel @p0 .LBB2_1-.Ltmp2, $3  }
0x113: {  	_ =	sdelay $0x1  }
0x114: {  	[sflag:s29] =	ssyncset.done $0x0  }
0x115: {  	[sflag:s29] =	ssyncadd.s32 $0xFFFFD880  }
0x116: {  	_ =	sfence.sel $0x180000  }
0x117: {  	[bflag:$0x0] =	sbarrier.arrive $0xFFFF  }
0x118: {  	_ =	strace $0x90000047  }
0x119: {  	s0 =	stileid.u32;
	[bflag:$0x2] =	sbarrier.arrive $0xFFFF  }
0x11a: {  	p0 =	sne.s32 s0, $0x0;
	s0 =	rddreg [dreg:$0x3]  }
0x11b: {  	s0 =	sadd.s32 @!p0 $0x100000, s0  }
0x11c: {  	[sflag:s0] =	ssyncadd.tile.s32 @!p0 $0x1;
	_ =	shalt  }
.Lfunc_end2:
_tile_overlayer_lowered:
.L_overlay_start_2:
0x11d: {  	(tag) =	ssettag $0x2  }
0x11e: {  	s0 =	rddreg [dreg:$0x0];
	s2 =	stileid.u32  }
0x11f: {  	s1 =	rddreg [dreg:$0x1];
	p0 =	sne.s32 s2, $0x0  }
0x120: {  	s3 =	rddreg [dreg:$0x2];
	[bflag:$0x3] =	sbarrier.arrive $0xFFFF;
	s2 =	simm.s32 @!p0 $0x1C03  }
0x121: {  	[timem:s3], [sflag:s2] =	dma.local @!p0 [hbm:s0], s1  }
0x122: {  	s0 =	simm.s32 @!p0 $0x3  }
0x123: {  	_ =	swait.ge @!p0 [sflag:s0], s1  }
0x124: {  	s1 =	ssub.s32 @!p0 $0x0, s1;
	[sflag:s0] =	ssyncset.done @!p0 $0x0  }
0x125: {  	[sflag:s0] =	ssyncadd.s32 @!p0 s1  }
0x126: {  	[bflag:$0x3] =	sbarrier.arrive $0xFFFF  }
0x127: {  	_ =	shalt  }

</sc_bundles>
